<compile_context>
chip_gen: v7x
topology: tpu7x:2x2x1
jax: 0.10.2.dev20260603
libtpu: 0.0.44.dev20260713+nightly
codegen_flags: <defaults>
</compile_context>

<pallas_src>
import functools
import math

import jax
import jax.numpy as jnp
from jax import lax
from jax.experimental import pallas as pl
from jax.experimental.pallas import tpu as pltpu
from jax.experimental.pallas import tpu_sc as plsc

N = 10000
E = 320000
DIM = 128
TIME_DIM = 16
ATOM_DIM = 12
OUT_DIM = 15
N_LAYER = 2
CUTOFF_G = 5.0
RB = 16
HID = DIM + ATOM_DIM + TIME_DIM
HP = 160

NC = 2
NS = 16
L = 16

K = 32
E_PAD = 321536
CPT = E_PAD // (NS * K)
EW = E_PAD // (NC * NS)
N_SP = 10240
SP_STRIPE = N_SP // NS


def _silu(x):
    return x * jax.nn.sigmoid(x)


def _sc_dist_body(px_h, py_h, pz_h, j_h, i_h, s_h, px, py, pz, jv, iv, sv):
    cid = lax.axis_index("c")
    sid = lax.axis_index("s")
    wid = sid * NC + cid
    base = wid * EW
    pltpu.sync_copy(px_h, px)
    pltpu.sync_copy(py_h, py)
    pltpu.sync_copy(pz_h, pz)
    pltpu.sync_copy(j_h.at[pl.ds(base, EW)], jv)
    pltpu.sync_copy(i_h.at[pl.ds(base, EW)], iv)

    def body(k, carry):
        o = k * L
        jj = jv[pl.ds(o, L)]
        ii = iv[pl.ds(o, L)]
        dx = plsc.load_gather(px, [ii]) - plsc.load_gather(px, [jj])
        dy = plsc.load_gather(py, [ii]) - plsc.load_gather(py, [jj])
        dz = plsc.load_gather(pz, [ii]) - plsc.load_gather(pz, [jj])
        sv[pl.ds(o, L)] = dx * dx + dy * dy + dz * dz
        return carry

    lax.fori_loop(0, EW // L, body, 0, unroll=4)
    pltpu.sync_copy(sv, s_h.at[pl.ds(base, EW)])


@functools.partial(jax.jit)
def _sc_dist(px, py, pz, jp, ip):
    mesh = plsc.VectorSubcoreMesh(
        core_axis_name="c", subcore_axis_name="s", num_cores=NC, num_subcores=NS
    )
    return pl.kernel(
        _sc_dist_body,
        out_type=jax.ShapeDtypeStruct((E_PAD,), jnp.float32),
        mesh=mesh,
        compiler_params=pltpu.CompilerParams(needs_layout_passes=False, use_tc_tiling_on_sc=False, internal_scratch_in_bytes=65536),
        scratch_types=[
            pltpu.VMEM((N,), jnp.float32),
            pltpu.VMEM((N,), jnp.float32),
            pltpu.VMEM((N,), jnp.float32),
            pltpu.VMEM((EW,), jnp.int32),
            pltpu.VMEM((EW,), jnp.int32),
            pltpu.VMEM((EW,), jnp.float32),
        ],
    )(px, py, pz, jp, ip)


def _sc_edge_body(shw_h, rbf_h, jiia_h, z_h, agg_h,
                  ji0, ji1, ji2, ji3, ii0, ii1, ii2, ii3,
                  rows0, rows1, rbfv0, rbfv1, agg_sh,
                  sj0, sj1, sj2, sj3, si0, si1, si2, si3,
                  g0, g1, r0, r1, s0, s1):
    cid = lax.axis_index("c")
    sid = lax.axis_index("s")
    ji = [ji0, ji1, ji2, ji3]
    ii = [ii0, ii1, ii2, ii3]
    sj = [sj0, sj1, sj2, sj3]
    si = [si0, si1, si2, si3]
    rows = [rows0, rows1]
    rbfv = [rbfv0, rbfv1]
    g = [g0, g1]
    r = [r0, r1]
    s = [s0, s1]
    cbase = sid * CPT
    cmax = CPT - 1

    def issue_idx(c, xs):
        c = jnp.minimum(c, cmax)
        pltpu.async_copy(jiia_h.at[cid, 0, pl.ds((cbase + c) * K, K)],
                         ji[xs], sj[xs])
        pltpu.async_copy(jiia_h.at[cid, 1, pl.ds((cbase + c) * K, K)],
                         ii[xs], si[xs])

    def issue_gr(c, rs, xs):
        c = jnp.minimum(c, cmax)
        pltpu.async_copy(shw_h.at[ji[xs]], rows[rs], g[rs])
        pltpu.async_copy(rbf_h.at[pl.ds((cbase + c) * K, K), :],
                         rbfv[rs], r[rs])

    def wait_rows(sem, rowbuf):
        pltpu.make_async_copy(z_h.at[pl.ds(0, K), :], rowbuf, sem).wait()

    def wait_idx(sem, ibuf):
        pltpu.make_async_copy(jiia_h.at[cid, 0, pl.ds(0, K)], ibuf,
                              sem).wait()

    def mul(rs):
        def mulrow(rw, carry2):
            for q in range(HP // L):
                rows[rs][rw, pl.ds(q * L, L)] = (
                    rows[rs][rw, pl.ds(q * L, L)]
                    * rbfv[rs][rw, pl.ds(q * L, L)]
                )
            return carry2

        lax.fori_loop(0, K, mulrow, 0, unroll=16)

    pltpu.sync_copy(z_h.at[pl.ds(sid * SP_STRIPE, SP_STRIPE), :],
                    agg_sh.at[pl.ds(sid * SP_STRIPE, SP_STRIPE), :])
    plsc.subcore_barrier()

    issue_idx(0, 0)
    issue_idx(1, 1)
    issue_idx(2, 2)
    wait_idx(sj[0], ji[0])
    issue_gr(0, 0, 0)
    pltpu.async_copy(z_h.at[pl.ds(0, K), :], rows[1], s[1])

    def quad(it, carry):
        for u in range(4):
            c = it * 4 + u
            rs, xs = u % 2, u
            nrs, nxs = 1 - rs, (u + 1) % 4
            wait_rows(s[nrs], rows[nrs])
            wait_idx(sj[nxs], ji[nxs])
            issue_gr(c + 1, nrs, nxs)
            issue_idx(c + 3, (u + 3) % 4)
            wait_rows(g[rs], rows[rs])
            wait_rows(r[rs], rbfv[rs])
            mul(rs)
            wait_idx(si[xs], ii[xs])
            pltpu.async_copy(rows[rs], agg_sh.at[ii[xs]], s[rs], add=True)
        return carry

    lax.fori_loop(0, CPT // 4, quad, 0)
    wait_rows(s[1], rows[1])
    wait_rows(g[0], rows[0])
    wait_rows(r[0], rbfv[0])
    wait_idx(sj[1], ji[1])
    wait_idx(sj[2], ji[2])
    wait_idx(si[0], ii[0])
    wait_idx(si[1], ii[1])
    wait_idx(si[2], ii[2])
    plsc.subcore_barrier()
    pltpu.sync_copy(
        agg_sh.at[pl.ds(sid * SP_STRIPE, SP_STRIPE), :],
        agg_h.at[pl.ds(cid * N_SP + sid * SP_STRIPE, SP_STRIPE), :],
    )


def _sc_edge(shw2, rbf, jiia, zer):
    mesh = plsc.VectorSubcoreMesh(
        core_axis_name="c", subcore_axis_name="s", num_cores=NC, num_subcores=NS
    )
    return pl.kernel(
        _sc_edge_body,
        out_type=jax.ShapeDtypeStruct((2 * N_SP, HP), jnp.float32),
        mesh=mesh,
        compiler_params=pltpu.CompilerParams(needs_layout_passes=False, use_tc_tiling_on_sc=False),
        scratch_types=(
            [pltpu.VMEM((K,), jnp.int32)] * 8
            + [pltpu.VMEM((K, HP), jnp.float32)] * 4
            + [pltpu.VMEM_SHARED((N_SP, HP), jnp.float32)]
            + [pltpu.SemaphoreType.DMA] * 14
        ),
    )(shw2, rbf, jiia, zer)


BER = 16
BE = BER * 128


def _tc_rbf_body(s_ref, ea_ref, w_ref, b_ref, o_ref):
    p = 5
    a = -(p + 1) * (p + 2) / 2.0
    b = p * (p + 2)
    c = -p * (p + 1) / 2.0
    s = s_ref[...]
    dist = jnp.sqrt(s + 1e-12)
    d = jnp.clip(dist / CUTOFF_G, 1e-3, 1.0)
    d2 = d * d
    d4 = d2 * d2
    env = 1.0 / d + a * d4 + b * d4 * d + c * d4 * d2
    kcol = (lax.broadcasted_iota(jnp.int32, (RB, 1), 0).astype(jnp.float32)
            + 1.0) * math.pi
    ea = ea_ref[...]
    w = w_ref[...]
    brow = b_ref[...]
    eblk = pl.program_id(0) * BE
    for u in range(BER):
        d_u = lax.slice(d, (u, 0), (u + 1, 128))
        env_u = lax.slice(env, (u, 0), (u + 1, 128))
        sin_u = jnp.sin(kcol * d_u) * env_u
        ea_u = lax.slice(ea, (0, u, 0), (3, u + 1, 128)).reshape(3, 128)
        cat = jnp.concatenate([sin_u, ea_u], axis=0)
        z = lax.dot_general(cat, w, (((0,), (0,)), ((), ())),
                            preferred_element_type=jnp.float32) + brow
        val = _silu(z)
        val = jnp.where(eblk + u * 128 < E, val, 0.0)
        o_ref[pl.ds(u * 128, 128), :] = val


def _tc_rbf(sR, eaT, w, brow):
    return pl.pallas_call(
        _tc_rbf_body,
        grid=(E_PAD // BE,),
        in_specs=[
            pl.BlockSpec((BER, 128), lambda e: (e, 0)),
            pl.BlockSpec((3, BER, 128), lambda e: (0, e, 0)),
            pl.BlockSpec((RB + 3, HP), lambda e: (0, 0)),
            pl.BlockSpec((1, HP), lambda e: (0, 0)),
        ],
        out_specs=pl.BlockSpec((BE, HP), lambda e: (e, 0)),
        out_shape=jax.ShapeDtypeStruct((E_PAD, HP), jnp.float32),
    )(sR, eaT, w, brow)


BN = 1000
NB = N // BN


def _tc_shw0_body(x_ref, wm_ref, o_ref):
    x = x_ref[0]
    o_ref[0] = _silu(jnp.dot(x, wm_ref[0], preferred_element_type=jnp.float32))


def _tc_shw0(x, wm0):
    return pl.pallas_call(
        _tc_shw0_body,
        grid=(2, NB),
        in_specs=[
            pl.BlockSpec((1, BN, HID), lambda s, n: (0, n, 0)),
            pl.BlockSpec((1, HID, HP), lambda s, n: (s, 0, 0)),
        ],
        out_specs=pl.BlockSpec((1, BN, HP), lambda s, n: (s, n, 0)),
        out_shape=jax.ShapeDtypeStruct((2, N_SP, HP), jnp.float32),
    )(x, wm0)


def _tc_dense_body_shw(h_ref, agg_ref, wu_ref, wo_ref, wm_ref, oin_ref,
                       h_o, out_o, shw_o):
    h = h_ref[0]
    agg = agg_ref[0][:, :HID]
    hn = _silu(jnp.dot(h + agg, wu_ref[0], preferred_element_type=jnp.float32))
    h_o[0] = hn
    out_o[0] = oin_ref[0] + jnp.dot(hn, wo_ref[0],
                                    preferred_element_type=jnp.float32)
    shw_o[0] = _silu(jnp.dot(hn, wm_ref[0], preferred_element_type=jnp.float32))


def _tc_dense_body(h_ref, agg_ref, wu_ref, wo_ref, oin_ref, h_o, out_o):
    h = h_ref[0]
    agg = agg_ref[0][:, :HID]
    hn = _silu(jnp.dot(h + agg, wu_ref[0], preferred_element_type=jnp.float32))
    h_o[0] = hn
    out_o[0] = oin_ref[0] + jnp.dot(hn, wo_ref[0],
                                    preferred_element_type=jnp.float32)


def _tc_dense(h, agg, wu, wo, oin, wm_next=None, share_h=False):
    in_specs = [
        pl.BlockSpec((1, BN, HID),
                     (lambda s, n: (0, n, 0)) if share_h
                     else (lambda s, n: (s, n, 0))),
        pl.BlockSpec((1, BN, HP), lambda s, n: (s, n, 0)),
        pl.BlockSpec((1, HID, HID), lambda s, n: (s, 0, 0)),
        pl.BlockSpec((1, HID, OUT_DIM), lambda s, n: (s, 0, 0)),
    ]
    out_specs = [
        pl.BlockSpec((1, BN, HID), lambda s, n: (s, n, 0)),
        pl.BlockSpec((1, BN, OUT_DIM), lambda s, n: (s, n, 0)),
    ]
    out_shape = [
        jax.ShapeDtypeStruct((2, N, HID), jnp.float32),
        jax.ShapeDtypeStruct((2, N, OUT_DIM), jnp.float32),
    ]
    oin_spec = pl.BlockSpec((1, BN, OUT_DIM), lambda s, n: (s, n, 0))
    if wm_next is not None:
        return pl.pallas_call(
            _tc_dense_body_shw,
            grid=(2, NB),
            in_specs=in_specs
            + [pl.BlockSpec((1, HID, HP), lambda s, n: (s, 0, 0)), oin_spec],
            out_specs=out_specs
            + [pl.BlockSpec((1, BN, HP), lambda s, n: (s, n, 0))],
            out_shape=out_shape
            + [jax.ShapeDtypeStruct((2, N_SP, HP), jnp.float32)],
        )(h, agg, wu, wo, wm_next, oin)
    return pl.pallas_call(
        _tc_dense_body,
        grid=(2, NB),
        in_specs=in_specs + [oin_spec],
        out_specs=out_specs,
        out_shape=out_shape,
    )(h, agg, wu, wo, oin)


def _tc_final_body(og_ref, ol_ref, te_ref, w_ref, b_ref, o_ref):
    w = w_ref[...]
    val = (jnp.dot(og_ref[...], w[:OUT_DIM], preferred_element_type=jnp.float32)
           + jnp.dot(ol_ref[...], w[OUT_DIM:2 * OUT_DIM],
                     preferred_element_type=jnp.float32)
           + jnp.dot(te_ref[...], w[2 * OUT_DIM:],
                     preferred_element_type=jnp.float32)
           + b_ref[...])
    o_ref[...] = val


def _tc_final(og, ol, te, w, brow):
    return pl.pallas_call(
        _tc_final_body,
        grid=(NB,),
        in_specs=[
            pl.BlockSpec((BN, OUT_DIM), lambda n: (n, 0)),
            pl.BlockSpec((BN, OUT_DIM), lambda n: (n, 0)),
            pl.BlockSpec((BN, TIME_DIM), lambda n: (n, 0)),
            pl.BlockSpec((2 * OUT_DIM + TIME_DIM, OUT_DIM), lambda n: (0, 0)),
            pl.BlockSpec((1, OUT_DIM), lambda n: (0, 0)),
        ],
        out_specs=pl.BlockSpec((BN, OUT_DIM), lambda n: (n, 0)),
        out_shape=jax.ShapeDtypeStruct((N, OUT_DIM), jnp.float32),
    )(og, ol, te, w, brow)


def _sinusoidal_emb(time, dim):
    half = dim // 2
    f = math.log(10000.0) / (half - 1)
    freqs = jnp.exp(jnp.arange(half, dtype=jnp.float32) * -f)
    e = time[:, None] * freqs[None, :]
    return jnp.concatenate([jnp.sin(e), jnp.cos(e)], axis=-1)


def kernel(x_raw, edge_index, edge_attr, t, W_init, b_init, Wt1, bt1, Wt2, bt2,
           Wrbf, brbf, Wm_g, Wu_g, Wo_g, Wm_l, Wu_l, Wo_l, Wout, bout):
    pos = x_raw[:, :3]
    feats = x_raw[:, 3:]
    x_pos = _silu(pos @ W_init + b_init)
    temb = _sinusoidal_emb(t, DIM)
    time_emb = jax.nn.gelu(temb @ Wt1 + bt1) @ Wt2 + bt2
    x = jnp.concatenate([x_pos, feats, time_emb], axis=1)

    jp = jnp.pad(edge_index[0], (0, E_PAD - E))
    ip = jnp.pad(edge_index[1], (0, E_PAD - E))
    px = pos[:, 0]
    py = pos[:, 1]
    pz = pos[:, 2]

    s = _sc_dist(px, py, pz, jp, ip)
    sR = s.reshape(E_PAD // 128, 128)
    eaT = jnp.pad(edge_attr, ((0, E_PAD - E), (0, 0))).T.reshape(
        3, E_PAD // 128, 128)
    wr = jnp.pad(Wrbf, ((0, 0), (0, HP - HID)))
    rbf_feat = _tc_rbf(sR, eaT, wr,
                       jnp.pad(brbf, (0, HP - HID)).reshape(1, HP))
    jiia = jnp.stack([jnp.stack([jp, ip]), jnp.stack([jp + N_SP, ip])])

    wm = jnp.stack([Wm_g, Wm_l])
    wm = jnp.pad(wm, ((0, 0), (0, 0), (0, 0), (0, HP - HID)))
    wu = jnp.stack([Wu_g, Wu_l])
    wo = jnp.stack([Wo_g, Wo_l])

    zer = jnp.zeros((N_SP, HP), jnp.float32)

    shw0 = _tc_shw0(x.reshape(1, N, HID), wm[:, 0])
    agg0 = _sc_edge(shw0.reshape(2 * N_SP, HP), rbf_feat, jiia, zer)
    oin = jnp.zeros((2, N, OUT_DIM), jnp.float32)
    h1, out1, shw1 = _tc_dense(x.reshape(1, N, HID), agg0.reshape(2, N_SP, HP),
                               wu[:, 0], wo[:, 0], oin, wm_next=wm[:, 1],
                               share_h=True)
    agg1 = _sc_edge(shw1.reshape(2 * N_SP, HP), rbf_feat, jiia, zer)
    h2, out2 = _tc_dense(h1, agg1.reshape(2, N_SP, HP), wu[:, 1], wo[:, 1],
                         out1)
    final = _tc_final(out2[0], out2[1], time_emb,
                      Wout, bout.reshape(1, OUT_DIM))
    return final

# --- scband reference (transcript-rebuilt; emitter-appended) ---
"""Pipeline reference for scband-pamnet-77257871720634 (READ-ONLY COPY).

The authoritative reference and input builder live on the scoring server;
editing this copy changes nothing except your own understanding.
"""

import math
import jax, jax.numpy as jnp
import numpy as np

N = 10000
E = 320000
DIM = 128
TIME_DIM = 16
ATOM_DIM = 12
OUT_DIM = 15
N_LAYER = 2
CUTOFF_G = 5.0
RB = 16
HID = DIM + ATOM_DIM + TIME_DIM


def silu(x):
    return x * jax.nn.sigmoid(x)


def sinusoidal_emb(time, dim):
    half = dim // 2
    f = math.log(10000.0) / (half - 1)
    freqs = jnp.exp(jnp.arange(half, dtype=jnp.float32) * -f)
    e = time[:, None] * freqs[None, :]
    return jnp.concatenate([jnp.sin(e), jnp.cos(e)], axis=-1)


def envelope(x, p=5):
    a = -(p + 1) * (p + 2) / 2.0
    b = p * (p + 2)
    c = -p * (p + 1) / 2.0
    return 1.0 / x + a * x ** (p - 1) + b * x ** p + c * x ** (p + 1)


def bessel_rbf(dist, cutoff, num=RB):
    d = jnp.clip(dist / cutoff, 1e-3, 1.0)
    freq = jnp.arange(1, num + 1, dtype=jnp.float32) * math.pi
    return envelope(d)[:, None] * jnp.sin(freq[None, :] * d[:, None])


def setup_inputs(seed: int = 0) -> dict:
    key = jax.random.key(seed)
    ks = jax.random.split(key, 24)
    s = lambda i, shape: jax.random.normal(ks[i], shape, jnp.float32) * 0.05
    inp = {}
    inp["x_raw"] = jax.random.normal(ks[0], (N, 3 + ATOM_DIM), jnp.float32)
    inp["edge_index"] = jax.random.randint(ks[1], (2, E), 0, N, dtype=jnp.int32)
    inp["edge_attr"] = jax.random.uniform(ks[2], (E, 3), dtype=jnp.float32)
    inp["t"] = jax.random.uniform(ks[3], (N,), dtype=jnp.float32) * 1000.0
    inp["W_init"] = s(4, (3, DIM))
    inp["b_init"] = jnp.zeros((DIM,), jnp.float32)
    inp["Wt1"] = s(5, (DIM, TIME_DIM))
    inp["bt1"] = jnp.zeros((TIME_DIM,), jnp.float32)
    inp["Wt2"] = s(6, (TIME_DIM, TIME_DIM))
    inp["bt2"] = jnp.zeros((TIME_DIM,), jnp.float32)
    inp["Wrbf"] = s(7, (RB + 3, HID))
    inp["brbf"] = jnp.zeros((HID,), jnp.float32)
    inp["Wm_g"] = s(8, (N_LAYER, HID, HID))
    inp["Wu_g"] = s(9, (N_LAYER, HID, HID))
    inp["Wo_g"] = s(10, (N_LAYER, HID, OUT_DIM))
    inp["Wm_l"] = s(11, (N_LAYER, HID, HID))
    inp["Wu_l"] = s(12, (N_LAYER, HID, HID))
    inp["Wo_l"] = s(13, (N_LAYER, HID, OUT_DIM))
    inp["Wout"] = s(14, (2 * OUT_DIM + TIME_DIM, OUT_DIM))
    inp["bout"] = jnp.zeros((OUT_DIM,), jnp.float32)
    return inp


def reference(x_raw, edge_index, edge_attr, t, W_init, b_init, Wt1, bt1, Wt2, bt2,
              Wrbf, brbf, Wm_g, Wu_g, Wo_g, Wm_l, Wu_l, Wo_l, Wout, bout):
    pos = x_raw[:, :3]
    feats = x_raw[:, 3:]
    x_pos = silu(pos @ W_init + b_init)
    temb = sinusoidal_emb(t, DIM)
    time_emb = jax.nn.gelu(temb @ Wt1 + bt1) @ Wt2 + bt2
    x = jnp.concatenate([x_pos, feats, time_emb], axis=1)
    j = edge_index[0]
    i = edge_index[1]
    dvec = pos[i] - pos[j]
    dist = jnp.sqrt(jnp.sum(dvec * dvec, axis=-1) + 1e-12)
    rbf = bessel_rbf(dist, CUTOFF_G)
    rbf_feat = silu(jnp.concatenate([rbf, edge_attr], axis=1) @ Wrbf + brbf)

    def mp_stack(x0, Wm, Wu, Wo):
        h = x0
        out = jnp.zeros((x0.shape[0], OUT_DIM), jnp.float32)
        for l in range(N_LAYER):
            m = silu(h[j] @ Wm[l]) * rbf_feat
            agg = jnp.zeros_like(h).at[i].add(m)
            h = silu((h + agg) @ Wu[l])
            out = out + h @ Wo[l]
        return out

    out_g = mp_stack(x, Wm_g, Wu_g, Wo_g)
    out_l = mp_stack(x, Wm_l, Wu_l, Wo_l)
    final = jnp.concatenate([out_g, out_l, time_emb], axis=1) @ Wout + bout
    return final

if __name__ == "__main__":
    import jax
    _d = setup_inputs()
    print(jax.jit(kernel)(*tuple(_d.values())))

</pallas_src>

<mosaic_0001>
#map = affine_map<(d0, d1) -> (0)>
module attributes {stable_mosaic.version = 14 : i64} {
  func.func @_sc_dist_body(%arg0: i32, %arg1: i32, %arg2: memref<10000xf32, #tpu.memory_space<hbm>>, %arg3: memref<10000xf32, #tpu.memory_space<hbm>>, %arg4: memref<10000xf32, #tpu.memory_space<hbm>>, %arg5: memref<321536xi32, #tpu.memory_space<hbm>>, %arg6: memref<321536xi32, #tpu.memory_space<hbm>>, %arg7: memref<321536xf32, #tpu.memory_space<hbm>>, %arg8: memref<10000xf32, #tpu.memory_space<vmem>>, %arg9: memref<10000xf32, #tpu.memory_space<vmem>>, %arg10: memref<10000xf32, #tpu.memory_space<vmem>>, %arg11: memref<10048xi32, #tpu.memory_space<vmem>>, %arg12: memref<10048xi32, #tpu.memory_space<vmem>>, %arg13: memref<10048xf32, #tpu.memory_space<vmem>>) attributes {dimension_semantics = [#tpu.dimension_semantics<core_parallel>, #tpu.dimension_semantics<subcore_parallel>], iteration_bounds = array<i64: 2, 16>, scalar_prefetch = 0 : i64, scratch_operands = 6 : i64, tpu.core_type = #tpu.core_type<sc_vector_subcore>, window_params = [{transform_indices = #map}, {transform_indices = #map}, {transform_indices = #map}, {transform_indices = #map}, {transform_indices = #map}, {transform_indices = #map}]} {
    %mul3A = arith.constant 2 : i32
    %mul3A_0 = arith.muli %arg1, %mul3A : i32
    %add3A = arith.addi %mul3A_0, %arg0 : i32
    %mul3A_1 = arith.constant 10048 : i32
    %mul3A_2 = arith.muli %add3A, %mul3A_1 : i32
    "tpu.region"() ({
      %run_scoped3A = tpu.sem_alloc : memref<!tpu.dma_semaphore, #tpu.memory_space<semaphore_mem>>
      tpu.enqueue_dma source(%arg2 : memref<10000xf32, #tpu.memory_space<hbm>>) target(%arg8 : memref<10000xf32, #tpu.memory_space<vmem>>) target_semaphore(%run_scoped3A : memref<!tpu.dma_semaphore, #tpu.memory_space<semaphore_mem>>)
      tpu.wait_dma2 semaphore(%run_scoped3A : memref<!tpu.dma_semaphore, #tpu.memory_space<semaphore_mem>>) src(%arg2 : memref<10000xf32, #tpu.memory_space<hbm>>) dst(%arg8 : memref<10000xf32, #tpu.memory_space<vmem>>)
      tpu.yield
    }) : () -> ()
    "tpu.region"() ({
      %run_scoped3A = tpu.sem_alloc : memref<!tpu.dma_semaphore, #tpu.memory_space<semaphore_mem>>
      tpu.enqueue_dma source(%arg3 : memref<10000xf32, #tpu.memory_space<hbm>>) target(%arg9 : memref<10000xf32, #tpu.memory_space<vmem>>) target_semaphore(%run_scoped3A : memref<!tpu.dma_semaphore, #tpu.memory_space<semaphore_mem>>)
      tpu.wait_dma2 semaphore(%run_scoped3A : memref<!tpu.dma_semaphore, #tpu.memory_space<semaphore_mem>>) src(%arg3 : memref<10000xf32, #tpu.memory_space<hbm>>) dst(%arg9 : memref<10000xf32, #tpu.memory_space<vmem>>)
      tpu.yield
    }) : () -> ()
    "tpu.region"() ({
      %run_scoped3A = tpu.sem_alloc : memref<!tpu.dma_semaphore, #tpu.memory_space<semaphore_mem>>
      tpu.enqueue_dma source(%arg4 : memref<10000xf32, #tpu.memory_space<hbm>>) target(%arg10 : memref<10000xf32, #tpu.memory_space<vmem>>) target_semaphore(%run_scoped3A : memref<!tpu.dma_semaphore, #tpu.memory_space<semaphore_mem>>)
      tpu.wait_dma2 semaphore(%run_scoped3A : memref<!tpu.dma_semaphore, #tpu.memory_space<semaphore_mem>>) src(%arg4 : memref<10000xf32, #tpu.memory_space<hbm>>) dst(%arg10 : memref<10000xf32, #tpu.memory_space<vmem>>)
      tpu.yield
    }) : () -> ()
    "tpu.region"() ({
      %run_scoped3A = tpu.sem_alloc : memref<!tpu.dma_semaphore, #tpu.memory_space<semaphore_mem>>
      %dma_start3A = tpu.memref_slice %arg5[%mul3A_2] : memref<321536xi32, #tpu.memory_space<hbm>> -> memref<10048xi32, #tpu.memory_space<hbm>>
      %dma_start3A_8 = tpu.memref_slice %arg5[%mul3A_2] : memref<321536xi32, #tpu.memory_space<hbm>> -> memref<10048xi32, #tpu.memory_space<hbm>>
      tpu.enqueue_dma source(%dma_start3A_8 : memref<10048xi32, #tpu.memory_space<hbm>>) target(%arg11 : memref<10048xi32, #tpu.memory_space<vmem>>) target_semaphore(%run_scoped3A : memref<!tpu.dma_semaphore, #tpu.memory_space<semaphore_mem>>)
      %dma_wait3A = tpu.memref_slice %arg5[%mul3A_2] : memref<321536xi32, #tpu.memory_space<hbm>> -> memref<10048xi32, #tpu.memory_space<hbm>>
      %dma_wait3A_9 = tpu.memref_slice %arg5[%mul3A_2] : memref<321536xi32, #tpu.memory_space<hbm>> -> memref<10048xi32, #tpu.memory_space<hbm>>
      tpu.wait_dma2 semaphore(%run_scoped3A : memref<!tpu.dma_semaphore, #tpu.memory_space<semaphore_mem>>) src(%dma_wait3A_9 : memref<10048xi32, #tpu.memory_space<hbm>>) dst(%arg11 : memref<10048xi32, #tpu.memory_space<vmem>>)
      tpu.yield
    }) : () -> ()
    "tpu.region"() ({
      %run_scoped3A = tpu.sem_alloc : memref<!tpu.dma_semaphore, #tpu.memory_space<semaphore_mem>>
      %dma_start3A = tpu.memref_slice %arg6[%mul3A_2] : memref<321536xi32, #tpu.memory_space<hbm>> -> memref<10048xi32, #tpu.memory_space<hbm>>
      %dma_start3A_8 = tpu.memref_slice %arg6[%mul3A_2] : memref<321536xi32, #tpu.memory_space<hbm>> -> memref<10048xi32, #tpu.memory_space<hbm>>
      tpu.enqueue_dma source(%dma_start3A_8 : memref<10048xi32, #tpu.memory_space<hbm>>) target(%arg12 : memref<10048xi32, #tpu.memory_space<vmem>>) target_semaphore(%run_scoped3A : memref<!tpu.dma_semaphore, #tpu.memory_space<semaphore_mem>>)
      %dma_wait3A = tpu.memref_slice %arg6[%mul3A_2] : memref<321536xi32, #tpu.memory_space<hbm>> -> memref<10048xi32, #tpu.memory_space<hbm>>
      %dma_wait3A_9 = tpu.memref_slice %arg6[%mul3A_2] : memref<321536xi32, #tpu.memory_space<hbm>> -> memref<10048xi32, #tpu.memory_space<hbm>>
      tpu.wait_dma2 semaphore(%run_scoped3A : memref<!tpu.dma_semaphore, #tpu.memory_space<semaphore_mem>>) src(%dma_wait3A_9 : memref<10048xi32, #tpu.memory_space<hbm>>) dst(%arg12 : memref<10048xi32, #tpu.memory_space<vmem>>)
      tpu.yield
    }) : () -> ()
    %scan3A = arith.constant 0 : i32
    %scan3A_3 = arith.constant 0 : i32
    %scan3A_4 = arith.constant 628 : i32
    %scan3A_5 = arith.addi %scan3A_3, %scan3A_4 : i32
    %scan3A_6 = arith.constant 4 : i32
    scf.for %scan3A_8 = %scan3A_3 to %scan3A_5 step %scan3A_6  : i32 {
      %mul3A_9 = arith.constant 16 : i32
      %mul3A_10 = arith.muli %scan3A_8, %mul3A_9 : i32
      %get3A = arith.index_cast %mul3A_10 : i32 to index
      %get3A_11 = tpu.vector_load %arg11[%get3A] {strides = array<i32>} : memref<10048xi32, #tpu.memory_space<vmem>>, vector<16xi32>,
      %get3A_12 = arith.index_cast %mul3A_10 : i32 to index
      %get3A_13 = tpu.vector_load %arg12[%get3A_12] {strides = array<i32>} : memref<10048xi32, #tpu.memory_space<vmem>>, vector<16xi32>,
      %gather3A = tpu.vector_load_idx %arg8[%get3A_13] : memref<10000xf32, #tpu.memory_space<vmem>>[vector<16xi32>], vector<16xf32>,
      %gather3A_14 = tpu.vector_load_idx %arg8[%get3A_11] : memref<10000xf32, #tpu.memory_space<vmem>>[vector<16xi32>], vector<16xf32>,
      %sub3A = arith.subf %gather3A, %gather3A_14 : vector<16xf32>
      %gather3A_15 = tpu.vector_load_idx %arg9[%get3A_13] : memref<10000xf32, #tpu.memory_space<vmem>>[vector<16xi32>], vector<16xf32>,
      %gather3A_16 = tpu.vector_load_idx %arg9[%get3A_11] : memref<10000xf32, #tpu.memory_space<vmem>>[vector<16xi32>], vector<16xf32>,
      %sub3A_17 = arith.subf %gather3A_15, %gather3A_16 : vector<16xf32>
      %gather3A_18 = tpu.vector_load_idx %arg10[%get3A_13] : memref<10000xf32, #tpu.memory_space<vmem>>[vector<16xi32>], vector<16xf32>,
      %gather3A_19 = tpu.vector_load_idx %arg10[%get3A_11] : memref<10000xf32, #tpu.memory_space<vmem>>[vector<16xi32>], vector<16xf32>,
      %sub3A_20 = arith.subf %gather3A_18, %gather3A_19 : vector<16xf32>
      %mul3A_21 = arith.mulf %sub3A, %sub3A : vector<16xf32>
      %mul3A_22 = arith.mulf %sub3A_17, %sub3A_17 : vector<16xf32>
      %add3A_23 = arith.addf %mul3A_21, %mul3A_22 : vector<16xf32>
      %mul3A_24 = arith.mulf %sub3A_20, %sub3A_20 : vector<16xf32>
      %add3A_25 = arith.addf %add3A_23, %mul3A_24 : vector<16xf32>
      %swap3A = arith.index_cast %mul3A_10 : i32 to index
      %swap3A_26 = tpu.vector_load %arg13[%swap3A] {strides = array<i32>} : memref<10048xf32, #tpu.memory_space<vmem>>, vector<16xf32>,
      tpu.vector_store %arg13[%swap3A], %add3A_25 {strides = array<i32>} : memref<10048xf32, #tpu.memory_space<vmem>>, vector<16xf32>,
      %scan3A_27 = arith.constant 1 : i32
      %scan3A_28 = arith.addi %scan3A_8, %scan3A_27 : i32
      %mul3A_29 = arith.constant 16 : i32
      %mul3A_30 = arith.muli %scan3A_28, %mul3A_29 : i32
      %get3A_31 = arith.index_cast %mul3A_30 : i32 to index
      %get3A_32 = tpu.vector_load %arg11[%get3A_31] {strides = array<i32>} : memref<10048xi32, #tpu.memory_space<vmem>>, vector<16xi32>,
      %get3A_33 = arith.index_cast %mul3A_30 : i32 to index
      %get3A_34 = tpu.vector_load %arg12[%get3A_33] {strides = array<i32>} : memref<10048xi32, #tpu.memory_space<vmem>>, vector<16xi32>,
      %gather3A_35 = tpu.vector_load_idx %arg8[%get3A_34] : memref<10000xf32, #tpu.memory_space<vmem>>[vector<16xi32>], vector<16xf32>,
      %gather3A_36 = tpu.vector_load_idx %arg8[%get3A_32] : memref<10000xf32, #tpu.memory_space<vmem>>[vector<16xi32>], vector<16xf32>,
      %sub3A_37 = arith.subf %gather3A_35, %gather3A_36 : vector<16xf32>
      %gather3A_38 = tpu.vector_load_idx %arg9[%get3A_34] : memref<10000xf32, #tpu.memory_space<vmem>>[vector<16xi32>], vector<16xf32>,
      %gather3A_39 = tpu.vector_load_idx %arg9[%get3A_32] : memref<10000xf32, #tpu.memory_space<vmem>>[vector<16xi32>], vector<16xf32>,
      %sub3A_40 = arith.subf %gather3A_38, %gather3A_39 : vector<16xf32>
      %gather3A_41 = tpu.vector_load_idx %arg10[%get3A_34] : memref<10000xf32, #tpu.memory_space<vmem>>[vector<16xi32>], vector<16xf32>,
      %gather3A_42 = tpu.vector_load_idx %arg10[%get3A_32] : memref<10000xf32, #tpu.memory_space<vmem>>[vector<16xi32>], vector<16xf32>,
      %sub3A_43 = arith.subf %gather3A_41, %gather3A_42 : vector<16xf32>
      %mul3A_44 = arith.mulf %sub3A_37, %sub3A_37 : vector<16xf32>
      %mul3A_45 = arith.mulf %sub3A_40, %sub3A_40 : vector<16xf32>
      %add3A_46 = arith.addf %mul3A_44, %mul3A_45 : vector<16xf32>
      %mul3A_47 = arith.mulf %sub3A_43, %sub3A_43 : vector<16xf32>
      %add3A_48 = arith.addf %add3A_46, %mul3A_47 : vector<16xf32>
      %swap3A_49 = arith.index_cast %mul3A_30 : i32 to index
      %swap3A_50 = tpu.vector_load %arg13[%swap3A_49] {strides = array<i32>} : memref<10048xf32, #tpu.memory_space<vmem>>, vector<16xf32>,
      tpu.vector_store %arg13[%swap3A_49], %add3A_48 {strides = array<i32>} : memref<10048xf32, #tpu.memory_space<vmem>>, vector<16xf32>,
      %scan3A_51 = arith.constant 2 : i32
      %scan3A_52 = arith.addi %scan3A_8, %scan3A_51 : i32
      %mul3A_53 = arith.constant 16 : i32
      %mul3A_54 = arith.muli %scan3A_52, %mul3A_53 : i32
      %get3A_55 = arith.index_cast %mul3A_54 : i32 to index
      %get3A_56 = tpu.vector_load %arg11[%get3A_55] {strides = array<i32>} : memref<10048xi32, #tpu.memory_space<vmem>>, vector<16xi32>,
      %get3A_57 = arith.index_cast %mul3A_54 : i32 to index
      %get3A_58 = tpu.vector_load %arg12[%get3A_57] {strides = array<i32>} : memref<10048xi32, #tpu.memory_space<vmem>>, vector<16xi32>,
      %gather3A_59 = tpu.vector_load_idx %arg8[%get3A_58] : memref<10000xf32, #tpu.memory_space<vmem>>[vector<16xi32>], vector<16xf32>,
      %gather3A_60 = tpu.vector_load_idx %arg8[%get3A_56] : memref<10000xf32, #tpu.memory_space<vmem>>[vector<16xi32>], vector<16xf32>,
      %sub3A_61 = arith.subf %gather3A_59, %gather3A_60 : vector<16xf32>
      %gather3A_62 = tpu.vector_load_idx %arg9[%get3A_58] : memref<10000xf32, #tpu.memory_space<vmem>>[vector<16xi32>], vector<16xf32>,
      %gather3A_63 = tpu.vector_load_idx %arg9[%get3A_56] : memref<10000xf32, #tpu.memory_space<vmem>>[vector<16xi32>], vector<16xf32>,
      %sub3A_64 = arith.subf %gather3A_62, %gather3A_63 : vector<16xf32>
      %gather3A_65 = tpu.vector_load_idx %arg10[%get3A_58] : memref<10000xf32, #tpu.memory_space<vmem>>[vector<16xi32>], vector<16xf32>,
      %gather3A_66 = tpu.vector_load_idx %arg10[%get3A_56] : memref<10000xf32, #tpu.memory_space<vmem>>[vector<16xi32>], vector<16xf32>,
      %sub3A_67 = arith.subf %gather3A_65, %gather3A_66 : vector<16xf32>
      %mul3A_68 = arith.mulf %sub3A_61, %sub3A_61 : vector<16xf32>
      %mul3A_69 = arith.mulf %sub3A_64, %sub3A_64 : vector<16xf32>
      %add3A_70 = arith.addf %mul3A_68, %mul3A_69 : vector<16xf32>
      %mul3A_71 = arith.mulf %sub3A_67, %sub3A_67 : vector<16xf32>
      %add3A_72 = arith.addf %add3A_70, %mul3A_71 : vector<16xf32>
      %swap3A_73 = arith.index_cast %mul3A_54 : i32 to index
      %swap3A_74 = tpu.vector_load %arg13[%swap3A_73] {strides = array<i32>} : memref<10048xf32, #tpu.memory_space<vmem>>, vector<16xf32>,
      tpu.vector_store %arg13[%swap3A_73], %add3A_72 {strides = array<i32>} : memref<10048xf32, #tpu.memory_space<vmem>>, vector<16xf32>,
      %scan3A_75 = arith.constant 3 : i32
      %scan3A_76 = arith.addi %scan3A_8, %scan3A_75 : i32
      %mul3A_77 = arith.constant 16 : i32
      %mul3A_78 = arith.muli %scan3A_76, %mul3A_77 : i32
      %get3A_79 = arith.index_cast %mul3A_78 : i32 to index
      %get3A_80 = tpu.vector_load %arg11[%get3A_79] {strides = array<i32>} : memref<10048xi32, #tpu.memory_space<vmem>>, vector<16xi32>,
      %get3A_81 = arith.index_cast %mul3A_78 : i32 to index
      %get3A_82 = tpu.vector_load %arg12[%get3A_81] {strides = array<i32>} : memref<10048xi32, #tpu.memory_space<vmem>>, vector<16xi32>,
      %gather3A_83 = tpu.vector_load_idx %arg8[%get3A_82] : memref<10000xf32, #tpu.memory_space<vmem>>[vector<16xi32>], vector<16xf32>,
      %gather3A_84 = tpu.vector_load_idx %arg8[%get3A_80] : memref<10000xf32, #tpu.memory_space<vmem>>[vector<16xi32>], vector<16xf32>,
      %sub3A_85 = arith.subf %gather3A_83, %gather3A_84 : vector<16xf32>
      %gather3A_86 = tpu.vector_load_idx %arg9[%get3A_82] : memref<10000xf32, #tpu.memory_space<vmem>>[vector<16xi32>], vector<16xf32>,
      %gather3A_87 = tpu.vector_load_idx %arg9[%get3A_80] : memref<10000xf32, #tpu.memory_space<vmem>>[vector<16xi32>], vector<16xf32>,
      %sub3A_88 = arith.subf %gather3A_86, %gather3A_87 : vector<16xf32>
      %gather3A_89 = tpu.vector_load_idx %arg10[%get3A_82] : memref<10000xf32, #tpu.memory_space<vmem>>[vector<16xi32>], vector<16xf32>,
      %gather3A_90 = tpu.vector_load_idx %arg10[%get3A_80] : memref<10000xf32, #tpu.memory_space<vmem>>[vector<16xi32>], vector<16xf32>,
      %sub3A_91 = arith.subf %gather3A_89, %gather3A_90 : vector<16xf32>
      %mul3A_92 = arith.mulf %sub3A_85, %sub3A_85 : vector<16xf32>
      %mul3A_93 = arith.mulf %sub3A_88, %sub3A_88 : vector<16xf32>
      %add3A_94 = arith.addf %mul3A_92, %mul3A_93 : vector<16xf32>
      %mul3A_95 = arith.mulf %sub3A_91, %sub3A_91 : vector<16xf32>
      %add3A_96 = arith.addf %add3A_94, %mul3A_95 : vector<16xf32>
      %swap3A_97 = arith.index_cast %mul3A_78 : i32 to index
      %swap3A_98 = tpu.vector_load %arg13[%swap3A_97] {strides = array<i32>} : memref<10048xf32, #tpu.memory_space<vmem>>, vector<16xf32>,
      tpu.vector_store %arg13[%swap3A_97], %add3A_96 {strides = array<i32>} : memref<10048xf32, #tpu.memory_space<vmem>>, vector<16xf32>,
    }
    %scan3A_7 = arith.constant 628 : i32
    "tpu.region"() ({
      %run_scoped3A = tpu.sem_alloc : memref<!tpu.dma_semaphore, #tpu.memory_space<semaphore_mem>>
      %dma_start3A = tpu.memref_slice %arg7[%mul3A_2] : memref<321536xf32, #tpu.memory_space<hbm>> -> memref<10048xf32, #tpu.memory_space<hbm>>
      %dma_start3A_8 = tpu.memref_slice %arg7[%mul3A_2] : memref<321536xf32, #tpu.memory_space<hbm>> -> memref<10048xf32, #tpu.memory_space<hbm>>
      tpu.enqueue_dma source(%arg13 : memref<10048xf32, #tpu.memory_space<vmem>>) target(%dma_start3A_8 : memref<10048xf32, #tpu.memory_space<hbm>>) target_semaphore(%run_scoped3A : memref<!tpu.dma_semaphore, #tpu.memory_space<semaphore_mem>>)
      %dma_wait3A = tpu.memref_slice %arg7[%mul3A_2] : memref<321536xf32, #tpu.memory_space<hbm>> -> memref<10048xf32, #tpu.memory_space<hbm>>
      %dma_wait3A_9 = tpu.memref_slice %arg7[%mul3A_2] : memref<321536xf32, #tpu.memory_space<hbm>> -> memref<10048xf32, #tpu.memory_space<hbm>>
      tpu.wait_dma2 semaphore(%run_scoped3A : memref<!tpu.dma_semaphore, #tpu.memory_space<semaphore_mem>>) src(%arg13 : memref<10048xf32, #tpu.memory_space<vmem>>) dst(%dma_wait3A_9 : memref<10048xf32, #tpu.memory_space<hbm>>)
      tpu.yield
    }) : () -> ()
    return
  }
}

</mosaic_0001>

<sc_bundles>
// kernel: _sc_dist.3.cloned.1.call-start
scs
__scs_entry_jumppad:
0x0: {  	(pc) =	sbr.rel $0x88, $3  }
0x1: {  	(tag) =	ssettag $0x0;
	lr =	simm.s32 $0x1  }
0x2: {  	[smem:$0x3F9C] =	sst lr;
	_ =	strace $0xD0000000  }
0x3: {  	_ = 	snop  }
0x4: {  	_ = 	snop  }
0x5: {  	_ = 	snop  }
0x6: {  	_ = 	snop  }
0x7: {  	_ = 	snop  }
__scs_overlays_trampoline_lowered:
0x8: {  	[smem:$0x3FAB] =	sst s0  }
0x9: {  	[smem:$0x3FAC] =	sst s1  }
0xa: {  	[smem:$0x3FAD] =	sst s2  }
0xb: {  	[smem:$0x3FAE] =	sst s3  }
0xc: {  	[smem:$0x3FAF] =	sst s4  }
0xd: {  	[smem:$0x3FB0] =	sst s5  }
0xe: {  	[smem:$0x3FB1] =	sst s6  }
0xf: {  	[smem:$0x3FB2] =	sst s7  }
0x10: {  	[smem:$0x3FB3] =	sst s8  }
0x11: {  	[smem:$0x3FB4] =	sst s9;
	s0 =	simm.s32 @!p0 $0x0  }
0x12: {  	s1 =	sld [smem:$0x3F9A];
	s0 =	simm.s32 @p0 $0x1  }
0x13: {  	[smem:$0x3FB5] =	sst s0;
	s0 =	simm.s32 @!p1 $0x0  }
0x14: {  	s2 =	sld [smem:$0x3F99];
	s0 =	simm.s32 @p1 $0x1  }
0x15: {  	[smem:$0x3FB6] =	sst s0;
	s0 =	simm.s32 @!p2 $0x0  }
0x16: {  	s3 =	sld [smem:$0x3FDB];
	s0 =	simm.s32 @p2 $0x1  }
0x17: {  	s4 =	simm.s32 $0x1BF5;
	[smem:$0x3FB8] =	sst s0  }
0x18: {  	s0 =	sld [smem:$0x3F9B];
	_ =	swait.ge [sflag:s4], $0x0  }
0x19: {  	s7 =	sld [smem:$0x3F9C]  }
0x1a: {  	s8 =	sadd.s32 $0xFFFFE003, lr  }
0x1b: {  	s9 =	sadd.s32 $0xFFFFFEF7, lr;
	s5 =	simm.s32 $0xFFFFFFFF;
	p2 =	slt.u32 s8, $0xFFFFF086  }
0x1c: {  	p1 =	slt.u32 s9, $0xF7A;
	s5 =	simm.s32 @!p2 $0x0  }
0x1d: {  	s5 =	simm.s32 @p1 $0x1;
	p0 =	seq.s32 s7, s2  }
0x1e: {  	s7 =	smul.u32 @!p0 $0xF7A, s2;
	p2 =	seq.s32 @!p0 s5, $0x0  }
0x1f: {  	s9 =	smul.u32 $0xF7A, s1;
	s8 =	simm.s32 @!p0 $0x1BF5;
	p2 =	por !p2, p0  }
0x20: {  	[sflag:s8] =	ssyncset.s32 @!p0 $0xFFFFF086;
	s6 =	sadd.s32 @!p0 s3, s7;
	s7 =	simm.s32 @!p0 $0x108  }
0x21: {  	s3 =	sadd.s32 s3, s9;
	s6 =	sadd.s32 @!p0 $0x88, s6;
	s7 =	simm.s32 @p2 $0x1082  }
0x22: {  	[simem:s7], [sflag:s8] =	dma.local @!p0 [hbm:s6], $0xF7A  }
0x23: {  	s9 =	sor.u32 $0xD0000000, s2;
	s6 =	simm.s32 $0x108;
	_ =	swait.ge @!p0 [sflag:s8], $0x0  }
0x24: {  	s3 =	sadd.s32 $0x88, s3;
	s6 =	simm.s32 @!p1 $0x1082;
	[sflag:s4] =	ssyncset.s32 $0xFFFFF086  }
0x25: {  	[simem:s6], [sflag:s4] =	dma.local [hbm:s3], $0xF7A  }
0x26: {  	[smem:$0x3F9C] =	sst s1;
	(tag) =	ssettag s2;
	_ =	strace s9  }
0x27: {  	s1 =	sld [smem:$0x3FAC]  }
0x28: {  	s2 =	sld [smem:$0x3FAD]  }
0x29: {  	s4 =	sld [smem:$0x3FAF]  }
0x2a: {  	p0 =	seq.s32 s5, $0x0;
	s5 =	sld [smem:$0x3FB0]  }
0x2b: {  	s6 =	sld [smem:$0x3FB1]  }
0x2c: {  	s7 =	sld [smem:$0x3FB2]  }
0x2d: {  	s3 =	simm.s32 $0x108;
	s8 =	sld [smem:$0x3FB3]  }
0x2e: {  	s3 =	simm.s32 @!p0 $0x1082;
	s9 =	sld [smem:$0x3FB4]  }
0x2f: {  	lr =	sadd.s32 s0, s3;
	s0 =	sld [smem:$0x3FAB]  }
0x30: {  	s3 =	sld [smem:$0x3FAE]  }
0x31: {  	[smem:$0x3FB7] =	sst s10  }
0x32: {  	s10 =	sld [smem:$0x3FB5];
	_ =	sdelay $0x3  }
0x33: {  	p0 =	seq.s32 s10, $0x1;
	s10 =	sld [smem:$0x3FB7];
	_ =	sdelay $0x3  }
0x34: {  	[smem:$0x3FB7] =	sst s10  }
0x35: {  	s10 =	sld [smem:$0x3FB6];
	_ =	sdelay $0x3  }
0x36: {  	p1 =	seq.s32 s10, $0x1;
	s10 =	sld [smem:$0x3FB7];
	_ =	sdelay $0x3  }
0x37: {  	[smem:$0x3FB7] =	sst s10  }
0x38: {  	s10 =	sld [smem:$0x3FB8]  }
0x39: {  	_ = 	snop;
	(pc) =	sbr.ind lr, $3  }
0x3a: {  	_ = 	snop  }
0x3b: {  	_ = 	snop  }
0x3c: {  	p2 =	seq.s32 s10, $0x1;
	s10 =	sld [smem:$0x3FB7]  }
0x3d: {  	_ =	shalt  }
0x3e: {  	_ =	shalt  }
0x3f: {  	_ =	shalt  }
0x40: {  	_ =	shalt  }
0x41: {  	_ =	shalt  }
0x42: {  	_ =	shalt  }
0x43: {  	_ =	shalt  }
0x44: {  	_ =	shalt  }
0x45: {  	_ =	shalt  }
0x46: {  	_ =	shalt  }
0x47: {  	_ =	shalt  }
0x48: {  	_ =	shalt  }
0x49: {  	_ =	shalt  }
0x4a: {  	_ =	shalt  }
0x4b: {  	_ =	shalt  }
0x4c: {  	_ =	shalt  }
0x4d: {  	_ =	shalt  }
0x4e: {  	_ =	shalt  }
0x4f: {  	_ =	shalt  }
0x50: {  	_ =	shalt  }
0x51: {  	_ =	shalt  }
0x52: {  	_ =	shalt  }
0x53: {  	_ =	shalt  }
0x54: {  	_ =	shalt  }
0x55: {  	_ =	shalt  }
0x56: {  	_ =	shalt  }
0x57: {  	_ =	shalt  }
0x58: {  	_ =	shalt  }
0x59: {  	_ =	shalt  }
0x5a: {  	_ =	shalt  }
0x5b: {  	_ =	shalt  }
0x5c: {  	_ =	shalt  }
0x5d: {  	_ =	shalt  }
0x5e: {  	_ =	shalt  }
0x5f: {  	_ =	shalt  }
0x60: {  	_ =	shalt  }
0x61: {  	_ =	shalt  }
0x62: {  	_ =	shalt  }
0x63: {  	_ =	shalt  }
0x64: {  	_ =	shalt  }
0x65: {  	_ =	shalt  }
0x66: {  	_ =	shalt  }
0x67: {  	_ =	shalt  }
0x68: {  	_ =	shalt  }
0x69: {  	_ =	shalt  }
0x6a: {  	_ =	shalt  }
0x6b: {  	_ =	shalt  }
0x6c: {  	_ =	shalt  }
0x6d: {  	_ =	shalt  }
0x6e: {  	_ =	shalt  }
0x6f: {  	_ =	shalt  }
0x70: {  	_ =	shalt  }
0x71: {  	_ =	shalt  }
0x72: {  	_ =	shalt  }
0x73: {  	_ =	shalt  }
0x74: {  	_ =	shalt  }
0x75: {  	_ =	shalt  }
0x76: {  	_ =	shalt  }
0x77: {  	_ =	shalt  }
0x78: {  	_ =	shalt  }
0x79: {  	_ =	shalt  }
0x7a: {  	_ =	shalt  }
0x7b: {  	_ =	shalt  }
0x7c: {  	_ =	shalt  }
0x7d: {  	_ =	shalt  }
0x7e: {  	_ =	shalt  }
0x7f: {  	_ =	shalt  }
0x80: {  	_ =	shalt  }
0x81: {  	_ =	shalt  }
0x82: {  	_ =	shalt  }
0x83: {  	_ =	shalt  }
0x84: {  	_ =	shalt  }
0x85: {  	_ =	shalt  }
0x86: {  	_ =	shalt  }
0x87: {  	_ =	shalt  }
.Lfunc_end0:
.L_simem_size_0:
called_computation_lowered:
.L_overlay_start_0:
0x88: {  	s2 =	sld [smem:$0x3FD9]  }
0x89: {  	s3 =	sld [smem:$0x3FFE];
	_ =	sdelay $0x1  }
0x8a: {  	s1 =	srdreg.scid  }
0x8b: {  	s0 =	sand.u32 $0x1, s1  }
0x8c: {  	s18 =	sshll.u32 s0, $0xA;
	s2 =	sadd.s32 s3, s2  }
0x8d: {  	s2 =	sadd.s32 s2, s18  }
0x8e: {  	[smem:$0x3FC3] =	sst s2  }
0x8f: {  	_ = 	snop  }
0x90: {  	s2 =	sld [smem:$0x3FC9]  }
0x91: {  	s19 =	sld [smem:$0x3FC8]  }
0x92: {  	s4 =	sld [smem:$0x3FC7]  }
0x93: {  	s5 =	sld [smem:$0x3FC6]  }
0x94: {  	s6 =	sld [smem:$0x3FC5]  }
0x95: {  	s7 =	sld [smem:$0x3FD0];
	(tm) =	ssettm $0x1  }
0x96: {  	s8 =	sld [smem:$0x3FFB];
	_ =	sdelay $0x3  }
0x97: {  	_ =	strace s8  }
0x98: {  	s8 =	sld [smem:$0x3FFC];
	_ =	sdelay $0x3  }
0x99: {  	_ =	strace s8  }
0x9a: {  	s8 =	sld [smem:$0x3FFD];
	_ =	sdelay $0x3  }
0x9b: {  	_ =	strace s8  }
0x9c: {  	_ =	strace $0x8FFFFFFF  }
0x9d: {  	s20 =	sld [smem:$0x3FDB];
	_ =	sdelay $0x1  }
0x9e: {  	s9 =	simm.s32 $_scs_section_size  }
0x9f: {  	s10 =	simm.s32 $_size__tile_overlayer_lowered;
	s11 =	simm.s32 $_tile_overlayer_lowered  }
0xa0: {  	s23 =	simm.s32 $0x1BFF;
	s22 =	sshll.u32 s11, $0x1;
	s8 =	sadd.s32 s9, s20  }
0xa1: {  	s12 =	simm.s32 $0x0;
	s21 =	sshll.u32 s10, $0x1;
	s10 =	sadd.s32 s22, s8  }
0xa2: {  	[timem:s12], [sflag:s23] =	dma.local [hbm:s10], s21  }
0xa3: {  	_ =	swait.ge [sflag:s23], s21  }
0xa4: {  	s9 =	ssub.s32 $0x0, s21;
	[sflag:s23] =	ssyncset.done $0x0  }
0xa5: {  	[sflag:s23] =	ssyncadd.s32 s9;
	_ =	sdelay $0x1  }
0xa6: {  	s24 =	simm.s32 $0x1B8B  }
0xa7: {  	_ =	swait.ge [sflag:s24], $0x1  }
0xa8: {  	[sflag:s24] =	ssyncset.done $0x0  }
0xa9: {  	s25 =	simm.s32 $0x1B8E;
	[sflag:s24] =	ssyncadd.s32 $0xFFFFFFFF  }
0xaa: {  	s26 =	simm.s32 $execute0_lowered;
	[smem:$0x3FD2] =	sst s25  }
0xab: {  	s9 =	sshll.u32 s26, $0x1;
	_ =	strace $0x80000046;
	[dreg:$0x1] =	wrdreg $0xFFFFFFFF  }
0xac: {  	s28 =	simm.s32 $_size_execute0_lowered;
	s8 =	sadd.s32 s8, s9;
	[dreg:$0x0] =	wrdreg $0x0  }
0xad: {  	s9 =	sshll.u32 s28, $0x1;
	[dreg:$0x2] =	wrdreg s8  }
0xae: {  	[dreg:$0x3] =	wrdreg s9  }
0xaf: {  	[dreg:$0x4] =	wrdreg $0xC0  }
0xb0: {  	_ =	task [dreg:s12], $0x5FFFF  }
0xb1: {  	[dreg:$0x1] =	wrdreg $0xFFFFFFFF  }
0xb2: {  	[dreg:$0x0] =	wrdreg $0x60  }
0xb3: {  	[dreg:$0x2] =	wrdreg s2  }
0xb4: {  	[dreg:$0x3] =	wrdreg s19  }
0xb5: {  	[dreg:$0x4] =	wrdreg s4  }
0xb6: {  	[dreg:$0x5] =	wrdreg s5  }
0xb7: {  	[dreg:$0x6] =	wrdreg s6  }
0xb8: {  	[dreg:$0x7] =	wrdreg s7  }
0xb9: {  	[dreg:$0x8] =	wrdreg $0x9  }
0xba: {  	_ =	task.clear_ibuf [dreg:s12], $0x9FFFF;
	_ =	strace $0x90000046  }
0xbb: {  	s29 =	simm.s32 $0x9;
	_ =	strace $0x80000048  }
0xbc: {  	_ =	swait.ge [sflag:s29], $0x1  }
0xbd: {  	[sflag:s29] =	ssyncadd.s32 $0xFFFFFFFF  }
0xbe: {  	_ =	strace $0x90000048  }
0xbf: {  	_ =	sfence  }
0xc0: {  	s30 =	sld [smem:$0x0];
	_ =	sdelay $0x2  }
0xc1: {  	s31 =	sshll.u32 s1, $0xD;
	s1 =	sshrl.u32 s1, $0x2  }
0xc2: {  	s3 =	sand.u32 $0x4000, s31;
	s1 =	sadd.s32 s1, s30  }
0xc3: {  	s0 =	sor.u32 s3, s0;
	s1 =	sshll.u32 s1, $0x11  }
0xc4: {  	s0 =	sor.u32 s1, s0  }
0xc5: {  	s0 =	sadd.s32 $0x8F2B, s0  }
0xc6: {  	[sflag:s0] =	ssyncadd.remote.s32 $0x1  }
0xc7: {  	_ =	sfence.sel $0xFFFF  }
0xc8: {  	[dreg:$0x0] =	wrdreg $0xFFFFFFFF;
	(pc) =	sbr.abs _section_cstart, $3  }
0xc9: {  	[dreg:$0x1] =	wrdreg $0xFFFFFFFF  }
0xca: {  	_ =	task.clear_ibuf [dreg:s12], $0x2FFFF;
	_ =	strace $0x9FFFFFFF  }
0xcb: {  	(tm) =	ssettm $0x7FFFFFFF  }
tec
execute0_lowered:
.L_overlay_start_1:
0x0: {  	(tag) =	ssettag $0x1  }
0x1: {  	s0 =	rddreg [dreg:$0x0]  }
0x2: {  	s1 =	rddreg [dreg:$0x1]  }
0x3: {  	s3 =	rddreg [dreg:$0x2]  }
0x4: {  	s6 =	rddreg [dreg:$0x3]  }
0x5: {  	s7 =	rddreg [dreg:$0x4];
	s4 =	srdreg.scid  }
0x6: {  	s2 =	stileid.u32;
	s8 =	rddreg [dreg:$0x5];
	s5 =	simm.s32 $0x0  }
0x7: {  	s12 =	simm.s32 $0x4E20;
	s13 =	simm.s32 $0x7530;
	s14 =	simm.s32 $0x9C70  }
0x8: {  	s15 =	simm.s32 $0xC3B0;
	s9 =	sand.u32 $0x1, s4;
	s10 =	sshll.u32 s2, $0x1  }
0x9: {  	s16 =	simm.s32 $0x0;
	s10 =	sor.u32 s9, s10;
	s9 =	ssub.s32 $0x2, s9  }
0xa: {  	[smem:$0x7FF] =	sst s5;
	s10 =	smul.u32 $0x4E8, s10;
	s11 =	sshrl.u32 s9, $0x1  }
0xb: {  	s4 =	rddreg [dreg:$0x6];
	_ =	strace $0x80000047;
	s9 =	ssub.s32 s9, s11  }
0xc: {  	s11 =	simm.s32 $0x2710;
	s6 =	sadd.s32 s6, s10;
	s7 =	sadd.s32 s7, s10  }
0xd: {  	s8 =	sadd.s32 s8, s10;
	s9 =	smax.u32 s9, $0x1;
	s10 =	simm.s32 $0x1  }
.LBB2_1:
0xe: {  	[tilespmem:s5], [sflag:$0x1] =	stream.linear.gather [hbm4b:s0+s5], $0x2710, $0x38;
	[tilespmem:$0xEAF0] =	vst v63  }
0xf: {  	_ =	swait.ge [sflag:s10], $0x2710  }
0x10: {  	[sflag:s10] =	ssyncset.done $0x0  }
0x11: {  	[sflag:s10] =	ssyncadd.s32 $0xFFFFD8F0  }
0x12: {  	[tilespmem:s11], [sflag:$0x1] =	stream.linear.gather [hbm4b:s1+s5], $0x2710, $0x38;
	[tilespmem:$0xEAF0] =	vst v63  }
0x13: {  	_ =	swait.ge [sflag:s10], $0x2710  }
0x14: {  	[sflag:s10] =	ssyncset.done $0x0  }
0x15: {  	[sflag:s10] =	ssyncadd.s32 $0xFFFFD8F0  }
0x16: {  	[tilespmem:s12], [sflag:$0x1] =	stream.linear.gather [hbm4b:s3+s5], $0x2710, $0x38;
	[tilespmem:$0xEAF0] =	vst v63  }
0x17: {  	_ =	swait.ge [sflag:s10], $0x2710  }
0x18: {  	[sflag:s10] =	ssyncset.done $0x0  }
0x19: {  	[sflag:s10] =	ssyncadd.s32 $0xFFFFD8F0  }
0x1a: {  	[tilespmem:s13], [sflag:$0x1] =	stream.linear.gather [hbm4b:s6+s5], $0x2740, $0x38;
	[tilespmem:$0xEAF0] =	vst v63  }
0x1b: {  	_ =	swait.ge [sflag:s10], $0x2740  }
0x1c: {  	[sflag:s10] =	ssyncset.done $0x0  }
0x1d: {  	[sflag:s10] =	ssyncadd.s32 $0xFFFFD8C0  }
0x1e: {  	[tilespmem:s14], [sflag:$0x1] =	stream.linear.gather [hbm4b:s7+s5], $0x2740, $0x38;
	[tilespmem:$0xEAF0] =	vst v63  }
0x1f: {  	_ =	swait.ge [sflag:s10], $0x2740  }
0x20: {  	s17 =	simm.s32 $0xFFFFFFFC;
	s18 =	simm.s32 $0x7550;
	[sflag:s10] =	ssyncset.done $0x0  }
0x21: {  	s19 =	simm.s32 $0x9C90;
	s20 =	simm.s32 $0xC3D0;
	[sflag:s10] =	ssyncadd.s32 $0xFFFFD8C0  }
.LBB2_2:
0x22: {  	v0 =	vld [tilespmem:s19+$0xFFFFFFE0]  }
0x23: {  	v1 =	vld [tilespmem:s18+$0xFFFFFFE0];
	_ =	sdelay $0x6  }
0x24: {  	v2 =	vld.idx.msk [tilespmem:v0+s5+$0x0], $0xffff  }
0x25: {  	v3 =	vld.idx.msk [tilespmem:v1+s5+$0x0], $0xffff  }
0x26: {  	v4 =	vld.idx.msk [tilespmem:v0+s11+$0x0], $0xffff  }
0x27: {  	v5 =	vld.idx.msk [tilespmem:v1+s11+$0x0], $0xffff  }
0x28: {  	v0 =	vld.idx.msk [tilespmem:v0+s12+$0x0], $0xffff  }
0x29: {  	v1 =	vld.idx.msk [tilespmem:v1+s12+$0x0], $0xffff;
	_ =	sdelay $0x2  }
0x2a: {  	v2 =	vsub.f32 v2, v3;
	v37 =	vsub.f32 v4, v5;
	_ =	sdelay $0x1  }
0x2b: {  	v0 =	vsub.f32 v0, v1;
	v38 =	vmul.f32 v2, v2;
	v39 =	vmul.f32 v37, v37;
	_ =	sdelay $0x1  }
0x2c: {  	v0 =	vmul.f32 v0, v0;
	v1 =	vadd.f32 v39, v38;
	_ =	sdelay $0x1  }
0x2d: {  	v0 =	vadd.f32 v0, v1;
	_ =	sdelay $0x1  }
0x2e: {  	[tilespmem:s20+$0xFFFFFFE0] =	vst v0  }
0x2f: {  	v0 =	vld [tilespmem:s19+$0xFFFFFFF0]  }
0x30: {  	v40 =	vld [tilespmem:s18+$0xFFFFFFF0];
	_ =	sdelay $0x6  }
0x31: {  	v41 =	vld.idx.msk [tilespmem:v0+s5+$0x0], $0xffff  }
0x32: {  	v42 =	vld.idx.msk [tilespmem:v40+s5+$0x0], $0xffff  }
0x33: {  	v43 =	vld.idx.msk [tilespmem:v0+s11+$0x0], $0xffff  }
0x34: {  	v44 =	vld.idx.msk [tilespmem:v40+s11+$0x0], $0xffff  }
0x35: {  	v0 =	vld.idx.msk [tilespmem:v0+s12+$0x0], $0xffff  }
0x36: {  	v1 =	vld.idx.msk [tilespmem:v40+s12+$0x0], $0xffff;
	_ =	sdelay $0x2  }
0x37: {  	v2 =	vsub.f32 v41, v42;
	v45 =	vsub.f32 v43, v44;
	_ =	sdelay $0x1  }
0x38: {  	v0 =	vsub.f32 v0, v1;
	v46 =	vmul.f32 v2, v2;
	v47 =	vmul.f32 v45, v45;
	_ =	sdelay $0x1  }
0x39: {  	v0 =	vmul.f32 v0, v0;
	v1 =	vadd.f32 v47, v46;
	_ =	sdelay $0x1  }
0x3a: {  	v0 =	vadd.f32 v0, v1;
	_ =	sdelay $0x1  }
0x3b: {  	[tilespmem:s20+$0xFFFFFFF0] =	vst v0  }
0x3c: {  	v0 =	vld [tilespmem:s19+$0x0]  }
0x3d: {  	v48 =	vld [tilespmem:s18+$0x0];
	_ =	sdelay $0x6  }
0x3e: {  	v49 =	vld.idx.msk [tilespmem:v0+s5+$0x0], $0xffff  }
0x3f: {  	v50 =	vld.idx.msk [tilespmem:v48+s5+$0x0], $0xffff  }
0x40: {  	v51 =	vld.idx.msk [tilespmem:v0+s11+$0x0], $0xffff  }
0x41: {  	v52 =	vld.idx.msk [tilespmem:v48+s11+$0x0], $0xffff  }
0x42: {  	v0 =	vld.idx.msk [tilespmem:v0+s12+$0x0], $0xffff  }
0x43: {  	v1 =	vld.idx.msk [tilespmem:v48+s12+$0x0], $0xffff;
	_ =	sdelay $0x2  }
0x44: {  	v2 =	vsub.f32 v49, v50;
	v53 =	vsub.f32 v51, v52;
	_ =	sdelay $0x1  }
0x45: {  	v0 =	vsub.f32 v0, v1;
	v54 =	vmul.f32 v2, v2;
	v55 =	vmul.f32 v53, v53;
	_ =	sdelay $0x1  }
0x46: {  	v0 =	vmul.f32 v0, v0;
	v1 =	vadd.f32 v55, v54;
	_ =	sdelay $0x1  }
0x47: {  	v0 =	vadd.f32 v0, v1;
	_ =	sdelay $0x1  }
0x48: {  	[tilespmem:s20+$0x0] =	vst v0  }
0x49: {  	v0 =	vld [tilespmem:s19+$0x10]  }
0x4a: {  	v56 =	vld [tilespmem:s18+$0x10];
	_ =	sdelay $0x6  }
0x4b: {  	v57 =	vld.idx.msk [tilespmem:v0+s5+$0x0], $0xffff  }
0x4c: {  	v58 =	vld.idx.msk [tilespmem:v56+s5+$0x0], $0xffff  }
0x4d: {  	v59 =	vld.idx.msk [tilespmem:v0+s11+$0x0], $0xffff  }
0x4e: {  	v60 =	vld.idx.msk [tilespmem:v56+s11+$0x0], $0xffff  }
0x4f: {  	v0 =	vld.idx.msk [tilespmem:v0+s12+$0x0], $0xffff  }
0x50: {  	v1 =	vld.idx.msk [tilespmem:v56+s12+$0x0], $0xffff;
	_ =	sdelay $0x2  }
0x51: {  	v2 =	vsub.f32 v57, v58;
	v61 =	vsub.f32 v59, v60;
	_ =	sdelay $0x1  }
0x52: {  	s17 =	sadd.s32 $0x4, s17;
	v0 =	vsub.f32 v0, v1;
	v62 =	vmul.f32 v2, v2;
	v63 =	vmul.f32 v61, v61  }
0x53: {  	p0 =	slt.u32 s17, $0x270  }
.Ltmp0:
0x54: {  	v0 =	vmul.f32 v0, v0;
	v1 =	vadd.f32 v63, v62;
	(pc) =	sbr.rel @p0 .LBB2_2-.Ltmp0, $3  }
0x55: {  	_ = 	snop  }
0x56: {  	v0 =	vadd.f32 v0, v1;
	_ =	sdelay $0x1  }
0x57: {  	s18 =	sadd.s32 $0x40, s18;
	s19 =	sadd.s32 $0x40, s19;
	[tilespmem:s20+$0x10] =	vst v0;
	s20 =	sadd.s32 $0x40, s20  }
0x58: {  	s16 =	sadd.s32 $0x1, s16  }
0x59: {  	p0 =	sne.s32 s16, s9  }
.Ltmp1:
0x5a: {  	_ = 	snop;
	(pc) =	sbr.rel @p0 .LBB2_1-.Ltmp1, $4  }
0x5b: {  	[hbm4b:s8+s5] =	stream.linear.scatter [tilespmem:s15], [sflag:$0x1], $0x2740, $0x38;
	[tilespmem:$0xEAF0] =	vst v63  }
0x5c: {  	_ =	swait.ge [sflag:s10], $0x2740  }
0x5d: {  	[sflag:s10] =	ssyncset.done $0x0  }
0x5e: {  	[sflag:s10] =	ssyncadd.s32 $0xFFFFD8C0  }
0x5f: {  	_ =	sfence.sel $0x180000  }
0x60: {  	[bflag:$0x0] =	sbarrier.arrive $0xFFFF  }
0x61: {  	p0 =	sne.s32 s2, $0x0;
	_ =	strace $0x90000047  }
0x62: {  	s0 =	sadd.s32 @!p0 $0x100000, s4;
	[bflag:$0x2] =	sbarrier.arrive $0xFFFF  }
0x63: {  	[sflag:s0] =	ssyncadd.tile.s32 @!p0 $0x1;
	_ =	shalt  }
.Lfunc_end2:
_tile_overlayer_lowered:
.L_overlay_start_2:
0x64: {  	(tag) =	ssettag $0x2  }
0x65: {  	s0 =	rddreg [dreg:$0x0];
	s2 =	stileid.u32  }
0x66: {  	s1 =	rddreg [dreg:$0x1];
	p0 =	sne.s32 s2, $0x0  }
0x67: {  	s3 =	rddreg [dreg:$0x2];
	[bflag:$0x3] =	sbarrier.arrive $0xFFFF;
	s2 =	simm.s32 @!p0 $0x1C01  }
0x68: {  	[timem:s3], [sflag:s2] =	dma.local @!p0 [hbm:s0], s1  }
0x69: {  	s0 =	simm.s32 @!p0 $0x1  }
0x6a: {  	_ =	swait.ge @!p0 [sflag:s0], s1  }
0x6b: {  	s1 =	ssub.s32 @!p0 $0x0, s1;
	[sflag:s0] =	ssyncset.done @!p0 $0x0  }
0x6c: {  	[sflag:s0] =	ssyncadd.s32 @!p0 s1  }
0x6d: {  	[bflag:$0x3] =	sbarrier.arrive $0xFFFF  }
0x6e: {  	_ =	shalt  }

</sc_bundles>
